<compile_context>
chip_gen: v7x
topology: tpu7x:2x2x1
jax: 0.10.2.dev20260603
libtpu: 0.0.44.dev20260713+nightly
codegen_flags: <defaults>
</compile_context>

<pallas_src>
import functools

import jax
import jax.numpy as jnp
from jax import lax
from jax.experimental import pallas as pl
from jax.experimental.pallas import tpu as pltpu
from jax.experimental.pallas import tpu_sc as plsc

NC = 2
NS = 16
L = 16
NW = NC * NS

B = 16384
F = 32
BPW = B // NW


def _mf_body(fromk_hbm, tok_hbm, table_hbm, wb_hbm, out_hbm,
             idx_a, idx_b, rows_a, rows_b, wb_v, out_v, sem_a, sem_b):
    wid = lax.axis_index("s") * NC + lax.axis_index("c")
    base = wid * BPW

    pltpu.sync_copy(fromk_hbm.at[pl.ds(base, BPW)], idx_a)
    pltpu.sync_copy(tok_hbm.at[pl.ds(base, BPW)], idx_b)
    ca = pltpu.async_copy(table_hbm.at[idx_a], rows_a, sem_a)
    cb = pltpu.async_copy(table_hbm.at[idx_b], rows_b, sem_b)
    pltpu.sync_copy(wb_hbm, wb_v)

    w0 = wb_v[pl.ds(0, L)]
    w1 = wb_v[pl.ds(L, L)]
    bias_v = wb_v[pl.ds(2 * L, L)]
    ca.wait()
    cb.wait()

    lane = lax.iota(jnp.int32, L)
    last = lane == (L - 1)

    def row(i, carry):
        a0 = rows_a[i, pl.ds(0, L)]
        a1 = rows_a[i, pl.ds(L, L)]
        b0 = rows_b[i, pl.ds(0, L)]
        b1 = rows_b[i, pl.ds(L, L)]
        p = a0 * b0 * w0 + a1 * b1 * w1
        s = plsc.cumsum(p) + bias_v
        plsc.store_scatter(out_v, [lane * 0 + i], s, mask=last)
        return carry

    lax.fori_loop(0, BPW, row, 0, unroll=8)
    pltpu.sync_copy(out_v, out_hbm.at[pl.ds(base, BPW)])


@functools.partial(
    pl.kernel,
    out_type=jax.ShapeDtypeStruct((B,), jnp.float32),
    mesh=plsc.VectorSubcoreMesh(core_axis_name="c", subcore_axis_name="s",
                                num_cores=NC, num_subcores=NS),
    scratch_types=[
        pltpu.VMEM((BPW,), jnp.int32),
        pltpu.VMEM((BPW,), jnp.int32),
        pltpu.VMEM((BPW, F), jnp.float32),
        pltpu.VMEM((BPW, F), jnp.float32),
        pltpu.VMEM((3 * L,), jnp.float32),
        pltpu.VMEM((BPW,), jnp.float32),
        pltpu.SemaphoreType.DMA,
        pltpu.SemaphoreType.DMA,
    ],
    compiler_params=pltpu.CompilerParams(needs_layout_passes=False,
                                         use_tc_tiling_on_sc=False),
)
def _mf_kernel(*refs):
    _mf_body(*refs)


def kernel(fromk, tok, embed_k_GMF, predict_W, predict_b):
    wb = jnp.concatenate([predict_W.reshape(-1),
                          jnp.broadcast_to(predict_b, (L,))])
    return _mf_kernel(fromk.astype(jnp.int32), tok.astype(jnp.int32),
                      embed_k_GMF, wb)

# --- scband reference (transcript-rebuilt; emitter-appended) ---
"""Pipeline reference for scband-knowledge-mf-17617955848558 (READ-ONLY COPY).

The authoritative reference and input builder live on the scoring server;
editing this copy changes nothing except your own understanding.
"""

import jax, jax.numpy as jnp
import numpy as np

KNOWLEDGE_NUM = 1000000
FACTOR_NUM = 32
BATCH = 16384

def setup_inputs(seed: int = 0) -> dict:
    key = jax.random.key(seed)
    k1, k2, k3, k4 = jax.random.split(key, 4)
    fromk = jax.random.randint(k1, (BATCH,), 0, KNOWLEDGE_NUM, dtype=jnp.int64 if jax.config.jax_enable_x64 else jnp.int32)
    tok = jax.random.randint(k2, (BATCH,), 0, KNOWLEDGE_NUM, dtype=jnp.int64 if jax.config.jax_enable_x64 else jnp.int32)
    # embedding table initialized with std=0.01 per _init_weight_
    embed_k_GMF = jax.random.normal(k3, (KNOWLEDGE_NUM, FACTOR_NUM), dtype=jnp.float32) * 0.01
    # linear layer: kaiming-uniform-ish init for weight, zero bias (per _init_weight_)
    bound = 1.0 / np.sqrt(FACTOR_NUM)
    predict_W = jax.random.uniform(k4, (FACTOR_NUM, 1), dtype=jnp.float32, minval=-bound, maxval=bound)
    predict_b = jnp.zeros((1,), dtype=jnp.float32)
    return {"fromk": fromk, "tok": tok, "embed_k_GMF": embed_k_GMF, "predict_W": predict_W, "predict_b": predict_b}

def reference(fromk, tok, embed_k_GMF, predict_W, predict_b):
    embed_fromk = jnp.take(embed_k_GMF, fromk, axis=0)   # [B, F] gather
    embed_tok = jnp.take(embed_k_GMF, tok, axis=0)       # [B, F] gather
    output_GMF = embed_fromk * embed_tok                  # [B, F]
    prediction = output_GMF @ predict_W + predict_b       # [B, 1]
    return prediction.reshape(-1)                         # [B]

if __name__ == "__main__":
    import jax
    _d = setup_inputs()
    print(jax.jit(kernel)(*tuple(_d.values())))

</pallas_src>

<mosaic_0001>
#map = affine_map<(d0, d1) -> (0)>
#map1 = affine_map<(d0, d1) -> (0, 0)>
module attributes {stable_mosaic.version = 14 : i64} {
  func.func @_mf_kernel(%arg0: i32, %arg1: i32, %arg2: memref<16384xi32, #tpu.memory_space<hbm>>, %arg3: memref<16384xi32, #tpu.memory_space<hbm>>, %arg4: memref<1000000x32xf32, #tpu.memory_space<hbm>>, %arg5: memref<48xf32, #tpu.memory_space<hbm>>, %arg6: memref<16384xf32, #tpu.memory_space<hbm>>, %arg7: memref<512xi32, #tpu.memory_space<vmem>>, %arg8: memref<512xi32, #tpu.memory_space<vmem>>, %arg9: memref<512x32xf32, #tpu.memory_space<vmem>>, %arg10: memref<512x32xf32, #tpu.memory_space<vmem>>, %arg11: memref<48xf32, #tpu.memory_space<vmem>>, %arg12: memref<512xf32, #tpu.memory_space<vmem>>, %arg13: memref<!tpu.dma_semaphore, #tpu.memory_space<semaphore_mem>>, %arg14: memref<!tpu.dma_semaphore, #tpu.memory_space<semaphore_mem>>) attributes {dimension_semantics = [#tpu.dimension_semantics<core_parallel>, #tpu.dimension_semantics<subcore_parallel>], iteration_bounds = array<i64: 2, 16>, scalar_prefetch = 0 : i64, scratch_operands = 8 : i64, tpu.core_type = #tpu.core_type<sc_vector_subcore>, window_params = [{transform_indices = #map}, {transform_indices = #map}, {transform_indices = #map1}, {transform_indices = #map}, {transform_indices = #map}]} {
    %mul3A = arith.constant 2 : i32
    %mul3A_0 = arith.muli %arg1, %mul3A : i32
    %add3A = arith.addi %mul3A_0, %arg0 : i32
    %mul3A_1 = arith.constant 512 : i32
    %mul3A_2 = arith.muli %add3A, %mul3A_1 : i32
    "tpu.region"() ({
      %run_scoped3A = tpu.sem_alloc : memref<!tpu.dma_semaphore, #tpu.memory_space<semaphore_mem>>
      %dma_start3A_25 = tpu.memref_slice %arg2[%mul3A_2] : memref<16384xi32, #tpu.memory_space<hbm>> -> memref<512xi32, #tpu.memory_space<hbm>>
      %dma_start3A_26 = tpu.memref_slice %arg2[%mul3A_2] : memref<16384xi32, #tpu.memory_space<hbm>> -> memref<512xi32, #tpu.memory_space<hbm>>
      tpu.enqueue_dma source(%dma_start3A_26 : memref<512xi32, #tpu.memory_space<hbm>>) target(%arg7 : memref<512xi32, #tpu.memory_space<vmem>>) target_semaphore(%run_scoped3A : memref<!tpu.dma_semaphore, #tpu.memory_space<semaphore_mem>>)
      %dma_wait3A_27 = tpu.memref_slice %arg2[%mul3A_2] : memref<16384xi32, #tpu.memory_space<hbm>> -> memref<512xi32, #tpu.memory_space<hbm>>
      %dma_wait3A_28 = tpu.memref_slice %arg2[%mul3A_2] : memref<16384xi32, #tpu.memory_space<hbm>> -> memref<512xi32, #tpu.memory_space<hbm>>
      tpu.wait_dma2 semaphore(%run_scoped3A : memref<!tpu.dma_semaphore, #tpu.memory_space<semaphore_mem>>) src(%dma_wait3A_28 : memref<512xi32, #tpu.memory_space<hbm>>) dst(%arg7 : memref<512xi32, #tpu.memory_space<vmem>>)
      tpu.yield
    }) : () -> ()
    "tpu.region"() ({
      %run_scoped3A = tpu.sem_alloc : memref<!tpu.dma_semaphore, #tpu.memory_space<semaphore_mem>>
      %dma_start3A_25 = tpu.memref_slice %arg3[%mul3A_2] : memref<16384xi32, #tpu.memory_space<hbm>> -> memref<512xi32, #tpu.memory_space<hbm>>
      %dma_start3A_26 = tpu.memref_slice %arg3[%mul3A_2] : memref<16384xi32, #tpu.memory_space<hbm>> -> memref<512xi32, #tpu.memory_space<hbm>>
      tpu.enqueue_dma source(%dma_start3A_26 : memref<512xi32, #tpu.memory_space<hbm>>) target(%arg8 : memref<512xi32, #tpu.memory_space<vmem>>) target_semaphore(%run_scoped3A : memref<!tpu.dma_semaphore, #tpu.memory_space<semaphore_mem>>)
      %dma_wait3A_27 = tpu.memref_slice %arg3[%mul3A_2] : memref<16384xi32, #tpu.memory_space<hbm>> -> memref<512xi32, #tpu.memory_space<hbm>>
      %dma_wait3A_28 = tpu.memref_slice %arg3[%mul3A_2] : memref<16384xi32, #tpu.memory_space<hbm>> -> memref<512xi32, #tpu.memory_space<hbm>>
      tpu.wait_dma2 semaphore(%run_scoped3A : memref<!tpu.dma_semaphore, #tpu.memory_space<semaphore_mem>>) src(%dma_wait3A_28 : memref<512xi32, #tpu.memory_space<hbm>>) dst(%arg8 : memref<512xi32, #tpu.memory_space<vmem>>)
      tpu.yield
    }) : () -> ()
    %dma_start3A = arith.constant 0 : i32
    %dma_start3A_3 = arith.constant 0 : i32
    %dma_start3A_4 = tpu.memref_slice %arg4[%dma_start3A, %dma_start3A_3] : memref<1000000x32xf32, #tpu.memory_space<hbm>> -> memref<1000000x32xf32, #tpu.memory_space<hbm>>
    tpu.enqueue_indirect_dma source(%dma_start3A_4 : memref<1000000x32xf32, #tpu.memory_space<hbm>>) target(%arg9 : memref<512x32xf32, #tpu.memory_space<vmem>>) offsets(%arg7 : memref<512xi32, #tpu.memory_space<vmem>>) semaphore(%arg13 : memref<!tpu.dma_semaphore, #tpu.memory_space<semaphore_mem>>)
    %dma_start3A_5 = arith.constant 0 : i32
    %dma_start3A_6 = arith.constant 0 : i32
    %dma_start3A_7 = tpu.memref_slice %arg4[%dma_start3A_5, %dma_start3A_6] : memref<1000000x32xf32, #tpu.memory_space<hbm>> -> memref<1000000x32xf32, #tpu.memory_space<hbm>>
    tpu.enqueue_indirect_dma source(%dma_start3A_7 : memref<1000000x32xf32, #tpu.memory_space<hbm>>) target(%arg10 : memref<512x32xf32, #tpu.memory_space<vmem>>) offsets(%arg8 : memref<512xi32, #tpu.memory_space<vmem>>) semaphore(%arg14 : memref<!tpu.dma_semaphore, #tpu.memory_space<semaphore_mem>>)
    "tpu.region"() ({
      %run_scoped3A = tpu.sem_alloc : memref<!tpu.dma_semaphore, #tpu.memory_space<semaphore_mem>>
      tpu.enqueue_dma source(%arg5 : memref<48xf32, #tpu.memory_space<hbm>>) target(%arg11 : memref<48xf32, #tpu.memory_space<vmem>>) target_semaphore(%run_scoped3A : memref<!tpu.dma_semaphore, #tpu.memory_space<semaphore_mem>>)
      tpu.wait_dma2 semaphore(%run_scoped3A : memref<!tpu.dma_semaphore, #tpu.memory_space<semaphore_mem>>) src(%arg5 : memref<48xf32, #tpu.memory_space<hbm>>) dst(%arg11 : memref<48xf32, #tpu.memory_space<vmem>>)
      tpu.yield
    }) : () -> ()
    %get3A = arith.constant 0 : index
    %get3A_8 = tpu.vector_load %arg11[%get3A] {strides = array<i32>} : memref<48xf32, #tpu.memory_space<vmem>>, vector<16xf32>,
    %get3A_9 = arith.constant 16 : index
    %get3A_10 = tpu.vector_load %arg11[%get3A_9] {strides = array<i32>} : memref<48xf32, #tpu.memory_space<vmem>>, vector<16xf32>,
    %get3A_11 = arith.constant 32 : index
    %get3A_12 = tpu.vector_load %arg11[%get3A_11] {strides = array<i32>} : memref<48xf32, #tpu.memory_space<vmem>>, vector<16xf32>,
    %dma_wait3A = arith.constant 0 : i32
    %dma_wait3A_13 = arith.constant 0 : i32
    %dma_wait3A_14 = tpu.memref_slice %arg4[%dma_wait3A, %dma_wait3A_13] : memref<1000000x32xf32, #tpu.memory_space<hbm>> -> memref<1000000x32xf32, #tpu.memory_space<hbm>>
    tpu.wait_indirect_dma semaphore(%arg13 : memref<!tpu.dma_semaphore, #tpu.memory_space<semaphore_mem>>) src(%dma_wait3A_14 : memref<1000000x32xf32, #tpu.memory_space<hbm>>) dst(%arg9 : memref<512x32xf32, #tpu.memory_space<vmem>>)
    %dma_wait3A_15 = arith.constant 0 : i32
    %dma_wait3A_16 = arith.constant 0 : i32
    %dma_wait3A_17 = tpu.memref_slice %arg4[%dma_wait3A_15, %dma_wait3A_16] : memref<1000000x32xf32, #tpu.memory_space<hbm>> -> memref<1000000x32xf32, #tpu.memory_space<hbm>>
    tpu.wait_indirect_dma semaphore(%arg14 : memref<!tpu.dma_semaphore, #tpu.memory_space<semaphore_mem>>) src(%dma_wait3A_17 : memref<1000000x32xf32, #tpu.memory_space<hbm>>) dst(%arg10 : memref<512x32xf32, #tpu.memory_space<vmem>>)
    %iota3A = tpu.iota {dimensions = array<i32: 0>} : vector<16xi32>
    %eq3A = arith.constant 15 : i32
    %eq3A_18 = vector.broadcast %eq3A : i32 to vector<16xi32>
    %eq3A_19 = arith.cmpi eq, %iota3A, %eq3A_18 : vector<16xi32>
    %scan3A = arith.constant 0 : i32
    %scan3A_20 = arith.constant 0 : i32
    %scan3A_21 = arith.constant 512 : i32
    %scan3A_22 = arith.addi %scan3A_20, %scan3A_21 : i32
    %scan3A_23 = arith.constant 8 : i32
    scf.for %scan3A_25 = %scan3A_20 to %scan3A_22 step %scan3A_23  : i32 {
      %get3A_26 = arith.index_cast %scan3A_25 : i32 to index
      %get3A_27 = arith.constant 0 : index
      %get3A_28 = tpu.vector_load %arg9[%get3A_26, %get3A_27] {strides = array<i32>} : memref<512x32xf32, #tpu.memory_space<vmem>>, vector<16xf32>,
      %get3A_29 = arith.index_cast %scan3A_25 : i32 to index
      %get3A_30 = arith.constant 16 : index
      %get3A_31 = tpu.vector_load %arg9[%get3A_29, %get3A_30] {strides = array<i32>} : memref<512x32xf32, #tpu.memory_space<vmem>>, vector<16xf32>,
      %get3A_32 = arith.index_cast %scan3A_25 : i32 to index
      %get3A_33 = arith.constant 0 : index
      %get3A_34 = tpu.vector_load %arg10[%get3A_32, %get3A_33] {strides = array<i32>} : memref<512x32xf32, #tpu.memory_space<vmem>>, vector<16xf32>,
      %get3A_35 = arith.index_cast %scan3A_25 : i32 to index
      %get3A_36 = arith.constant 16 : index
      %get3A_37 = tpu.vector_load %arg10[%get3A_35, %get3A_36] {strides = array<i32>} : memref<512x32xf32, #tpu.memory_space<vmem>>, vector<16xf32>,
      %mul3A_38 = arith.mulf %get3A_28, %get3A_34 : vector<16xf32>
      %mul3A_39 = arith.mulf %mul3A_38, %get3A_8 : vector<16xf32>
      %mul3A_40 = arith.mulf %get3A_31, %get3A_37 : vector<16xf32>
      %mul3A_41 = arith.mulf %mul3A_40, %get3A_10 : vector<16xf32>
      %add3A_42 = arith.addf %mul3A_39, %mul3A_41 : vector<16xf32>
      %broadcast_in_dim3A = arith.constant true
      %broadcast_in_dim3A_43 = vector.broadcast %broadcast_in_dim3A : i1 to vector<16xi1>
      %masked_cumsum3A = tpu.scan <sum>, %add3A_42 masked %broadcast_in_dim3A_43 : vector<16xf32>, vector<16xi1> -> vector<16xf32>
      %add3A_44 = arith.addf %masked_cumsum3A, %get3A_12 : vector<16xf32>
      %mul3A_45 = arith.constant 0 : i32
      %mul3A_46 = vector.broadcast %mul3A_45 : i32 to vector<16xi32>
      %mul3A_47 = arith.muli %iota3A, %mul3A_46 : vector<16xi32>
      %add3A_48 = vector.broadcast %scan3A_25 : i32 to vector<16xi32>
      %add3A_49 = arith.addi %mul3A_47, %add3A_48 : vector<16xi32>
      tpu.vector_store_idx %arg12[%add3A_49], %add3A_44 masked %eq3A_19 : memref<512xf32, #tpu.memory_space<vmem>>[vector<16xi32>], vector<16xf32>, vector<16xi1>
      %scan3A_50 = arith.constant 1 : i32
      %scan3A_51 = arith.addi %scan3A_25, %scan3A_50 : i32
      %get3A_52 = arith.index_cast %scan3A_51 : i32 to index
      %get3A_53 = arith.constant 0 : index
      %get3A_54 = tpu.vector_load %arg9[%get3A_52, %get3A_53] {strides = array<i32>} : memref<512x32xf32, #tpu.memory_space<vmem>>, vector<16xf32>,
      %get3A_55 = arith.index_cast %scan3A_51 : i32 to index
      %get3A_56 = arith.constant 16 : index
      %get3A_57 = tpu.vector_load %arg9[%get3A_55, %get3A_56] {strides = array<i32>} : memref<512x32xf32, #tpu.memory_space<vmem>>, vector<16xf32>,
      %get3A_58 = arith.index_cast %scan3A_51 : i32 to index
      %get3A_59 = arith.constant 0 : index
      %get3A_60 = tpu.vector_load %arg10[%get3A_58, %get3A_59] {strides = array<i32>} : memref<512x32xf32, #tpu.memory_space<vmem>>, vector<16xf32>,
      %get3A_61 = arith.index_cast %scan3A_51 : i32 to index
      %get3A_62 = arith.constant 16 : index
      %get3A_63 = tpu.vector_load %arg10[%get3A_61, %get3A_62] {strides = array<i32>} : memref<512x32xf32, #tpu.memory_space<vmem>>, vector<16xf32>,
      %mul3A_64 = arith.mulf %get3A_54, %get3A_60 : vector<16xf32>
      %mul3A_65 = arith.mulf %mul3A_64, %get3A_8 : vector<16xf32>
      %mul3A_66 = arith.mulf %get3A_57, %get3A_63 : vector<16xf32>
      %mul3A_67 = arith.mulf %mul3A_66, %get3A_10 : vector<16xf32>
      %add3A_68 = arith.addf %mul3A_65, %mul3A_67 : vector<16xf32>
      %broadcast_in_dim3A_69 = arith.constant true
      %broadcast_in_dim3A_70 = vector.broadcast %broadcast_in_dim3A_69 : i1 to vector<16xi1>
      %masked_cumsum3A_71 = tpu.scan <sum>, %add3A_68 masked %broadcast_in_dim3A_70 : vector<16xf32>, vector<16xi1> -> vector<16xf32>
      %add3A_72 = arith.addf %masked_cumsum3A_71, %get3A_12 : vector<16xf32>
      %mul3A_73 = arith.constant 0 : i32
      %mul3A_74 = vector.broadcast %mul3A_73 : i32 to vector<16xi32>
      %mul3A_75 = arith.muli %iota3A, %mul3A_74 : vector<16xi32>
      %add3A_76 = vector.broadcast %scan3A_51 : i32 to vector<16xi32>
      %add3A_77 = arith.addi %mul3A_75, %add3A_76 : vector<16xi32>
      tpu.vector_store_idx %arg12[%add3A_77], %add3A_72 masked %eq3A_19 : memref<512xf32, #tpu.memory_space<vmem>>[vector<16xi32>], vector<16xf32>, vector<16xi1>
      %scan3A_78 = arith.constant 2 : i32
      %scan3A_79 = arith.addi %scan3A_25, %scan3A_78 : i32
      %get3A_80 = arith.index_cast %scan3A_79 : i32 to index
      %get3A_81 = arith.constant 0 : index
      %get3A_82 = tpu.vector_load %arg9[%get3A_80, %get3A_81] {strides = array<i32>} : memref<512x32xf32, #tpu.memory_space<vmem>>, vector<16xf32>,
      %get3A_83 = arith.index_cast %scan3A_79 : i32 to index
      %get3A_84 = arith.constant 16 : index
      %get3A_85 = tpu.vector_load %arg9[%get3A_83, %get3A_84] {strides = array<i32>} : memref<512x32xf32, #tpu.memory_space<vmem>>, vector<16xf32>,
      %get3A_86 = arith.index_cast %scan3A_79 : i32 to index
      %get3A_87 = arith.constant 0 : index
      %get3A_88 = tpu.vector_load %arg10[%get3A_86, %get3A_87] {strides = array<i32>} : memref<512x32xf32, #tpu.memory_space<vmem>>, vector<16xf32>,
      %get3A_89 = arith.index_cast %scan3A_79 : i32 to index
      %get3A_90 = arith.constant 16 : index
      %get3A_91 = tpu.vector_load %arg10[%get3A_89, %get3A_90] {strides = array<i32>} : memref<512x32xf32, #tpu.memory_space<vmem>>, vector<16xf32>,
      %mul3A_92 = arith.mulf %get3A_82, %get3A_88 : vector<16xf32>
      %mul3A_93 = arith.mulf %mul3A_92, %get3A_8 : vector<16xf32>
      %mul3A_94 = arith.mulf %get3A_85, %get3A_91 : vector<16xf32>
      %mul3A_95 = arith.mulf %mul3A_94, %get3A_10 : vector<16xf32>
      %add3A_96 = arith.addf %mul3A_93, %mul3A_95 : vector<16xf32>
      %broadcast_in_dim3A_97 = arith.constant true
      %broadcast_in_dim3A_98 = vector.broadcast %broadcast_in_dim3A_97 : i1 to vector<16xi1>
      %masked_cumsum3A_99 = tpu.scan <sum>, %add3A_96 masked %broadcast_in_dim3A_98 : vector<16xf32>, vector<16xi1> -> vector<16xf32>
      %add3A_100 = arith.addf %masked_cumsum3A_99, %get3A_12 : vector<16xf32>
      %mul3A_101 = arith.constant 0 : i32
      %mul3A_102 = vector.broadcast %mul3A_101 : i32 to vector<16xi32>
      %mul3A_103 = arith.muli %iota3A, %mul3A_102 : vector<16xi32>
      %add3A_104 = vector.broadcast %scan3A_79 : i32 to vector<16xi32>
      %add3A_105 = arith.addi %mul3A_103, %add3A_104 : vector<16xi32>
      tpu.vector_store_idx %arg12[%add3A_105], %add3A_100 masked %eq3A_19 : memref<512xf32, #tpu.memory_space<vmem>>[vector<16xi32>], vector<16xf32>, vector<16xi1>
      %scan3A_106 = arith.constant 3 : i32
      %scan3A_107 = arith.addi %scan3A_25, %scan3A_106 : i32
      %get3A_108 = arith.index_cast %scan3A_107 : i32 to index
      %get3A_109 = arith.constant 0 : index
      %get3A_110 = tpu.vector_load %arg9[%get3A_108, %get3A_109] {strides = array<i32>} : memref<512x32xf32, #tpu.memory_space<vmem>>, vector<16xf32>,
      %get3A_111 = arith.index_cast %scan3A_107 : i32 to index
      %get3A_112 = arith.constant 16 : index
      %get3A_113 = tpu.vector_load %arg9[%get3A_111, %get3A_112] {strides = array<i32>} : memref<512x32xf32, #tpu.memory_space<vmem>>, vector<16xf32>,
      %get3A_114 = arith.index_cast %scan3A_107 : i32 to index
      %get3A_115 = arith.constant 0 : index
      %get3A_116 = tpu.vector_load %arg10[%get3A_114, %get3A_115] {strides = array<i32>} : memref<512x32xf32, #tpu.memory_space<vmem>>, vector<16xf32>,
      %get3A_117 = arith.index_cast %scan3A_107 : i32 to index
      %get3A_118 = arith.constant 16 : index
      %get3A_119 = tpu.vector_load %arg10[%get3A_117, %get3A_118] {strides = array<i32>} : memref<512x32xf32, #tpu.memory_space<vmem>>, vector<16xf32>,
      %mul3A_120 = arith.mulf %get3A_110, %get3A_116 : vector<16xf32>
      %mul3A_121 = arith.mulf %mul3A_120, %get3A_8 : vector<16xf32>
      %mul3A_122 = arith.mulf %get3A_113, %get3A_119 : vector<16xf32>
      %mul3A_123 = arith.mulf %mul3A_122, %get3A_10 : vector<16xf32>
      %add3A_124 = arith.addf %mul3A_121, %mul3A_123 : vector<16xf32>
      %broadcast_in_dim3A_125 = arith.constant true
      %broadcast_in_dim3A_126 = vector.broadcast %broadcast_in_dim3A_125 : i1 to vector<16xi1>
      %masked_cumsum3A_127 = tpu.scan <sum>, %add3A_124 masked %broadcast_in_dim3A_126 : vector<16xf32>, vector<16xi1> -> vector<16xf32>
      %add3A_128 = arith.addf %masked_cumsum3A_127, %get3A_12 : vector<16xf32>
      %mul3A_129 = arith.constant 0 : i32
      %mul3A_130 = vector.broadcast %mul3A_129 : i32 to vector<16xi32>
      %mul3A_131 = arith.muli %iota3A, %mul3A_130 : vector<16xi32>
      %add3A_132 = vector.broadcast %scan3A_107 : i32 to vector<16xi32>
      %add3A_133 = arith.addi %mul3A_131, %add3A_132 : vector<16xi32>
      tpu.vector_store_idx %arg12[%add3A_133], %add3A_128 masked %eq3A_19 : memref<512xf32, #tpu.memory_space<vmem>>[vector<16xi32>], vector<16xf32>, vector<16xi1>
      %scan3A_134 = arith.constant 4 : i32
      %scan3A_135 = arith.addi %scan3A_25, %scan3A_134 : i32
      %get3A_136 = arith.index_cast %scan3A_135 : i32 to index
      %get3A_137 = arith.constant 0 : index
      %get3A_138 = tpu.vector_load %arg9[%get3A_136, %get3A_137] {strides = array<i32>} : memref<512x32xf32, #tpu.memory_space<vmem>>, vector<16xf32>,
      %get3A_139 = arith.index_cast %scan3A_135 : i32 to index
      %get3A_140 = arith.constant 16 : index
      %get3A_141 = tpu.vector_load %arg9[%get3A_139, %get3A_140] {strides = array<i32>} : memref<512x32xf32, #tpu.memory_space<vmem>>, vector<16xf32>,
      %get3A_142 = arith.index_cast %scan3A_135 : i32 to index
      %get3A_143 = arith.constant 0 : index
      %get3A_144 = tpu.vector_load %arg10[%get3A_142, %get3A_143] {strides = array<i32>} : memref<512x32xf32, #tpu.memory_space<vmem>>, vector<16xf32>,
      %get3A_145 = arith.index_cast %scan3A_135 : i32 to index
      %get3A_146 = arith.constant 16 : index
      %get3A_147 = tpu.vector_load %arg10[%get3A_145, %get3A_146] {strides = array<i32>} : memref<512x32xf32, #tpu.memory_space<vmem>>, vector<16xf32>,
      %mul3A_148 = arith.mulf %get3A_138, %get3A_144 : vector<16xf32>
      %mul3A_149 = arith.mulf %mul3A_148, %get3A_8 : vector<16xf32>
      %mul3A_150 = arith.mulf %get3A_141, %get3A_147 : vector<16xf32>
      %mul3A_151 = arith.mulf %mul3A_150, %get3A_10 : vector<16xf32>
      %add3A_152 = arith.addf %mul3A_149, %mul3A_151 : vector<16xf32>
      %broadcast_in_dim3A_153 = arith.constant true
      %broadcast_in_dim3A_154 = vector.broadcast %broadcast_in_dim3A_153 : i1 to vector<16xi1>
      %masked_cumsum3A_155 = tpu.scan <sum>, %add3A_152 masked %broadcast_in_dim3A_154 : vector<16xf32>, vector<16xi1> -> vector<16xf32>
      %add3A_156 = arith.addf %masked_cumsum3A_155, %get3A_12 : vector<16xf32>
      %mul3A_157 = arith.constant 0 : i32
      %mul3A_158 = vector.broadcast %mul3A_157 : i32 to vector<16xi32>
      %mul3A_159 = arith.muli %iota3A, %mul3A_158 : vector<16xi32>
      %add3A_160 = vector.broadcast %scan3A_135 : i32 to vector<16xi32>
      %add3A_161 = arith.addi %mul3A_159, %add3A_160 : vector<16xi32>
      tpu.vector_store_idx %arg12[%add3A_161], %add3A_156 masked %eq3A_19 : memref<512xf32, #tpu.memory_space<vmem>>[vector<16xi32>], vector<16xf32>, vector<16xi1>
      %scan3A_162 = arith.constant 5 : i32
      %scan3A_163 = arith.addi %scan3A_25, %scan3A_162 : i32
      %get3A_164 = arith.index_cast %scan3A_163 : i32 to index
      %get3A_165 = arith.constant 0 : index
      %get3A_166 = tpu.vector_load %arg9[%get3A_164, %get3A_165] {strides = array<i32>} : memref<512x32xf32, #tpu.memory_space<vmem>>, vector<16xf32>,
      %get3A_167 = arith.index_cast %scan3A_163 : i32 to index
      %get3A_168 = arith.constant 16 : index
      %get3A_169 = tpu.vector_load %arg9[%get3A_167, %get3A_168] {strides = array<i32>} : memref<512x32xf32, #tpu.memory_space<vmem>>, vector<16xf32>,
      %get3A_170 = arith.index_cast %scan3A_163 : i32 to index
      %get3A_171 = arith.constant 0 : index
      %get3A_172 = tpu.vector_load %arg10[%get3A_170, %get3A_171] {strides = array<i32>} : memref<512x32xf32, #tpu.memory_space<vmem>>, vector<16xf32>,
      %get3A_173 = arith.index_cast %scan3A_163 : i32 to index
      %get3A_174 = arith.constant 16 : index
      %get3A_175 = tpu.vector_load %arg10[%get3A_173, %get3A_174] {strides = array<i32>} : memref<512x32xf32, #tpu.memory_space<vmem>>, vector<16xf32>,
      %mul3A_176 = arith.mulf %get3A_166, %get3A_172 : vector<16xf32>
      %mul3A_177 = arith.mulf %mul3A_176, %get3A_8 : vector<16xf32>
      %mul3A_178 = arith.mulf %get3A_169, %get3A_175 : vector<16xf32>
      %mul3A_179 = arith.mulf %mul3A_178, %get3A_10 : vector<16xf32>
      %add3A_180 = arith.addf %mul3A_177, %mul3A_179 : vector<16xf32>
      %broadcast_in_dim3A_181 = arith.constant true
      %broadcast_in_dim3A_182 = vector.broadcast %broadcast_in_dim3A_181 : i1 to vector<16xi1>
      %masked_cumsum3A_183 = tpu.scan <sum>, %add3A_180 masked %broadcast_in_dim3A_182 : vector<16xf32>, vector<16xi1> -> vector<16xf32>
      %add3A_184 = arith.addf %masked_cumsum3A_183, %get3A_12 : vector<16xf32>
      %mul3A_185 = arith.constant 0 : i32
      %mul3A_186 = vector.broadcast %mul3A_185 : i32 to vector<16xi32>
      %mul3A_187 = arith.muli %iota3A, %mul3A_186 : vector<16xi32>
      %add3A_188 = vector.broadcast %scan3A_163 : i32 to vector<16xi32>
      %add3A_189 = arith.addi %mul3A_187, %add3A_188 : vector<16xi32>
      tpu.vector_store_idx %arg12[%add3A_189], %add3A_184 masked %eq3A_19 : memref<512xf32, #tpu.memory_space<vmem>>[vector<16xi32>], vector<16xf32>, vector<16xi1>
      %scan3A_190 = arith.constant 6 : i32
      %scan3A_191 = arith.addi %scan3A_25, %scan3A_190 : i32
      %get3A_192 = arith.index_cast %scan3A_191 : i32 to index
      %get3A_193 = arith.constant 0 : index
      %get3A_194 = tpu.vector_load %arg9[%get3A_192, %get3A_193] {strides = array<i32>} : memref<512x32xf32, #tpu.memory_space<vmem>>, vector<16xf32>,
      %get3A_195 = arith.index_cast %scan3A_191 : i32 to index
      %get3A_196 = arith.constant 16 : index
      %get3A_197 = tpu.vector_load %arg9[%get3A_195, %get3A_196] {strides = array<i32>} : memref<512x32xf32, #tpu.memory_space<vmem>>, vector<16xf32>,
      %get3A_198 = arith.index_cast %scan3A_191 : i32 to index
      %get3A_199 = arith.constant 0 : index
      %get3A_200 = tpu.vector_load %arg10[%get3A_198, %get3A_199] {strides = array<i32>} : memref<512x32xf32, #tpu.memory_space<vmem>>, vector<16xf32>,
      %get3A_201 = arith.index_cast %scan3A_191 : i32 to index
      %get3A_202 = arith.constant 16 : index
      %get3A_203 = tpu.vector_load %arg10[%get3A_201, %get3A_202] {strides = array<i32>} : memref<512x32xf32, #tpu.memory_space<vmem>>, vector<16xf32>,
      %mul3A_204 = arith.mulf %get3A_194, %get3A_200 : vector<16xf32>
      %mul3A_205 = arith.mulf %mul3A_204, %get3A_8 : vector<16xf32>
      %mul3A_206 = arith.mulf %get3A_197, %get3A_203 : vector<16xf32>
      %mul3A_207 = arith.mulf %mul3A_206, %get3A_10 : vector<16xf32>
      %add3A_208 = arith.addf %mul3A_205, %mul3A_207 : vector<16xf32>
      %broadcast_in_dim3A_209 = arith.constant true
      %broadcast_in_dim3A_210 = vector.broadcast %broadcast_in_dim3A_209 : i1 to vector<16xi1>
      %masked_cumsum3A_211 = tpu.scan <sum>, %add3A_208 masked %broadcast_in_dim3A_210 : vector<16xf32>, vector<16xi1> -> vector<16xf32>
      %add3A_212 = arith.addf %masked_cumsum3A_211, %get3A_12 : vector<16xf32>
      %mul3A_213 = arith.constant 0 : i32
      %mul3A_214 = vector.broadcast %mul3A_213 : i32 to vector<16xi32>
      %mul3A_215 = arith.muli %iota3A, %mul3A_214 : vector<16xi32>
      %add3A_216 = vector.broadcast %scan3A_191 : i32 to vector<16xi32>
      %add3A_217 = arith.addi %mul3A_215, %add3A_216 : vector<16xi32>
      tpu.vector_store_idx %arg12[%add3A_217], %add3A_212 masked %eq3A_19 : memref<512xf32, #tpu.memory_space<vmem>>[vector<16xi32>], vector<16xf32>, vector<16xi1>
      %scan3A_218 = arith.constant 7 : i32
      %scan3A_219 = arith.addi %scan3A_25, %scan3A_218 : i32
      %get3A_220 = arith.index_cast %scan3A_219 : i32 to index
      %get3A_221 = arith.constant 0 : index
      %get3A_222 = tpu.vector_load %arg9[%get3A_220, %get3A_221] {strides = array<i32>} : memref<512x32xf32, #tpu.memory_space<vmem>>, vector<16xf32>,
      %get3A_223 = arith.index_cast %scan3A_219 : i32 to index
      %get3A_224 = arith.constant 16 : index
      %get3A_225 = tpu.vector_load %arg9[%get3A_223, %get3A_224] {strides = array<i32>} : memref<512x32xf32, #tpu.memory_space<vmem>>, vector<16xf32>,
      %get3A_226 = arith.index_cast %scan3A_219 : i32 to index
      %get3A_227 = arith.constant 0 : index
      %get3A_228 = tpu.vector_load %arg10[%get3A_226, %get3A_227] {strides = array<i32>} : memref<512x32xf32, #tpu.memory_space<vmem>>, vector<16xf32>,
      %get3A_229 = arith.index_cast %scan3A_219 : i32 to index
      %get3A_230 = arith.constant 16 : index
      %get3A_231 = tpu.vector_load %arg10[%get3A_229, %get3A_230] {strides = array<i32>} : memref<512x32xf32, #tpu.memory_space<vmem>>, vector<16xf32>,
      %mul3A_232 = arith.mulf %get3A_222, %get3A_228 : vector<16xf32>
      %mul3A_233 = arith.mulf %mul3A_232, %get3A_8 : vector<16xf32>
      %mul3A_234 = arith.mulf %get3A_225, %get3A_231 : vector<16xf32>
      %mul3A_235 = arith.mulf %mul3A_234, %get3A_10 : vector<16xf32>
      %add3A_236 = arith.addf %mul3A_233, %mul3A_235 : vector<16xf32>
      %broadcast_in_dim3A_237 = arith.constant true
      %broadcast_in_dim3A_238 = vector.broadcast %broadcast_in_dim3A_237 : i1 to vector<16xi1>
      %masked_cumsum3A_239 = tpu.scan <sum>, %add3A_236 masked %broadcast_in_dim3A_238 : vector<16xf32>, vector<16xi1> -> vector<16xf32>
      %add3A_240 = arith.addf %masked_cumsum3A_239, %get3A_12 : vector<16xf32>
      %mul3A_241 = arith.constant 0 : i32
      %mul3A_242 = vector.broadcast %mul3A_241 : i32 to vector<16xi32>
      %mul3A_243 = arith.muli %iota3A, %mul3A_242 : vector<16xi32>
      %add3A_244 = vector.broadcast %scan3A_219 : i32 to vector<16xi32>
      %add3A_245 = arith.addi %mul3A_243, %add3A_244 : vector<16xi32>
      tpu.vector_store_idx %arg12[%add3A_245], %add3A_240 masked %eq3A_19 : memref<512xf32, #tpu.memory_space<vmem>>[vector<16xi32>], vector<16xf32>, vector<16xi1>
    }
    %scan3A_24 = arith.constant 512 : i32
    "tpu.region"() ({
      %run_scoped3A = tpu.sem_alloc : memref<!tpu.dma_semaphore, #tpu.memory_space<semaphore_mem>>
      %dma_start3A_25 = tpu.memref_slice %arg6[%mul3A_2] : memref<16384xf32, #tpu.memory_space<hbm>> -> memref<512xf32, #tpu.memory_space<hbm>>
      %dma_start3A_26 = tpu.memref_slice %arg6[%mul3A_2] : memref<16384xf32, #tpu.memory_space<hbm>> -> memref<512xf32, #tpu.memory_space<hbm>>
      tpu.enqueue_dma source(%arg12 : memref<512xf32, #tpu.memory_space<vmem>>) target(%dma_start3A_26 : memref<512xf32, #tpu.memory_space<hbm>>) target_semaphore(%run_scoped3A : memref<!tpu.dma_semaphore, #tpu.memory_space<semaphore_mem>>)
      %dma_wait3A_27 = tpu.memref_slice %arg6[%mul3A_2] : memref<16384xf32, #tpu.memory_space<hbm>> -> memref<512xf32, #tpu.memory_space<hbm>>
      %dma_wait3A_28 = tpu.memref_slice %arg6[%mul3A_2] : memref<16384xf32, #tpu.memory_space<hbm>> -> memref<512xf32, #tpu.memory_space<hbm>>
      tpu.wait_dma2 semaphore(%run_scoped3A : memref<!tpu.dma_semaphore, #tpu.memory_space<semaphore_mem>>) src(%arg12 : memref<512xf32, #tpu.memory_space<vmem>>) dst(%dma_wait3A_28 : memref<512xf32, #tpu.memory_space<hbm>>)
      tpu.yield
    }) : () -> ()
    return
  }
}

</mosaic_0001>

<sc_bundles>
// kernel: kernel.3.cloned.1.call-start
scs
__scs_entry_jumppad:
0x0: {  	(pc) =	sbr.rel $0x88, $3  }
0x1: {  	(tag) =	ssettag $0x0;
	lr =	simm.s32 $0x1  }
0x2: {  	[smem:$0x3F9C] =	sst lr;
	_ =	strace $0xD0000000  }
0x3: {  	_ = 	snop  }
0x4: {  	_ = 	snop  }
0x5: {  	_ = 	snop  }
0x6: {  	_ = 	snop  }
0x7: {  	_ = 	snop  }
__scs_overlays_trampoline_lowered:
0x8: {  	[smem:$0x3FAB] =	sst s0  }
0x9: {  	[smem:$0x3FAC] =	sst s1  }
0xa: {  	[smem:$0x3FAD] =	sst s2  }
0xb: {  	[smem:$0x3FAE] =	sst s3  }
0xc: {  	[smem:$0x3FAF] =	sst s4  }
0xd: {  	[smem:$0x3FB0] =	sst s5  }
0xe: {  	[smem:$0x3FB1] =	sst s6  }
0xf: {  	[smem:$0x3FB2] =	sst s7  }
0x10: {  	[smem:$0x3FB3] =	sst s8  }
0x11: {  	[smem:$0x3FB4] =	sst s9;
	s0 =	simm.s32 @!p0 $0x0  }
0x12: {  	s1 =	sld [smem:$0x3F9A];
	s0 =	simm.s32 @p0 $0x1  }
0x13: {  	[smem:$0x3FB5] =	sst s0;
	s0 =	simm.s32 @!p1 $0x0  }
0x14: {  	s2 =	sld [smem:$0x3F99];
	s0 =	simm.s32 @p1 $0x1  }
0x15: {  	[smem:$0x3FB6] =	sst s0;
	s0 =	simm.s32 @!p2 $0x0  }
0x16: {  	s3 =	sld [smem:$0x3FDB];
	s0 =	simm.s32 @p2 $0x1  }
0x17: {  	s4 =	simm.s32 $0x1BF5;
	[smem:$0x3FB8] =	sst s0  }
0x18: {  	s0 =	sld [smem:$0x3F9B];
	_ =	swait.ge [sflag:s4], $0x0  }
0x19: {  	s7 =	sld [smem:$0x3F9C]  }
0x1a: {  	s8 =	sadd.s32 $0xFFFFE003, lr  }
0x1b: {  	s9 =	sadd.s32 $0xFFFFFEF7, lr;
	s5 =	simm.s32 $0xFFFFFFFF;
	p2 =	slt.u32 s8, $0xFFFFF086  }
0x1c: {  	p1 =	slt.u32 s9, $0xF7A;
	s5 =	simm.s32 @!p2 $0x0  }
0x1d: {  	s5 =	simm.s32 @p1 $0x1;
	p0 =	seq.s32 s7, s2  }
0x1e: {  	s7 =	smul.u32 @!p0 $0xF7A, s2;
	p2 =	seq.s32 @!p0 s5, $0x0  }
0x1f: {  	s9 =	smul.u32 $0xF7A, s1;
	s8 =	simm.s32 @!p0 $0x1BF5;
	p2 =	por !p2, p0  }
0x20: {  	[sflag:s8] =	ssyncset.s32 @!p0 $0xFFFFF086;
	s6 =	sadd.s32 @!p0 s3, s7;
	s7 =	simm.s32 @!p0 $0x108  }
0x21: {  	s3 =	sadd.s32 s3, s9;
	s6 =	sadd.s32 @!p0 $0x88, s6;
	s7 =	simm.s32 @p2 $0x1082  }
0x22: {  	[simem:s7], [sflag:s8] =	dma.local @!p0 [hbm:s6], $0xF7A  }
0x23: {  	s9 =	sor.u32 $0xD0000000, s2;
	s6 =	simm.s32 $0x108;
	_ =	swait.ge @!p0 [sflag:s8], $0x0  }
0x24: {  	s3 =	sadd.s32 $0x88, s3;
	s6 =	simm.s32 @!p1 $0x1082;
	[sflag:s4] =	ssyncset.s32 $0xFFFFF086  }
0x25: {  	[simem:s6], [sflag:s4] =	dma.local [hbm:s3], $0xF7A  }
0x26: {  	[smem:$0x3F9C] =	sst s1;
	(tag) =	ssettag s2;
	_ =	strace s9  }
0x27: {  	s1 =	sld [smem:$0x3FAC]  }
0x28: {  	s2 =	sld [smem:$0x3FAD]  }
0x29: {  	s4 =	sld [smem:$0x3FAF]  }
0x2a: {  	p0 =	seq.s32 s5, $0x0;
	s5 =	sld [smem:$0x3FB0]  }
0x2b: {  	s6 =	sld [smem:$0x3FB1]  }
0x2c: {  	s7 =	sld [smem:$0x3FB2]  }
0x2d: {  	s3 =	simm.s32 $0x108;
	s8 =	sld [smem:$0x3FB3]  }
0x2e: {  	s3 =	simm.s32 @!p0 $0x1082;
	s9 =	sld [smem:$0x3FB4]  }
0x2f: {  	lr =	sadd.s32 s0, s3;
	s0 =	sld [smem:$0x3FAB]  }
0x30: {  	s3 =	sld [smem:$0x3FAE]  }
0x31: {  	[smem:$0x3FB7] =	sst s10  }
0x32: {  	s10 =	sld [smem:$0x3FB5];
	_ =	sdelay $0x3  }
0x33: {  	p0 =	seq.s32 s10, $0x1;
	s10 =	sld [smem:$0x3FB7];
	_ =	sdelay $0x3  }
0x34: {  	[smem:$0x3FB7] =	sst s10  }
0x35: {  	s10 =	sld [smem:$0x3FB6];
	_ =	sdelay $0x3  }
0x36: {  	p1 =	seq.s32 s10, $0x1;
	s10 =	sld [smem:$0x3FB7];
	_ =	sdelay $0x3  }
0x37: {  	[smem:$0x3FB7] =	sst s10  }
0x38: {  	s10 =	sld [smem:$0x3FB8]  }
0x39: {  	_ = 	snop;
	(pc) =	sbr.ind lr, $3  }
0x3a: {  	_ = 	snop  }
0x3b: {  	_ = 	snop  }
0x3c: {  	p2 =	seq.s32 s10, $0x1;
	s10 =	sld [smem:$0x3FB7]  }
0x3d: {  	_ =	shalt  }
0x3e: {  	_ =	shalt  }
0x3f: {  	_ =	shalt  }
0x40: {  	_ =	shalt  }
0x41: {  	_ =	shalt  }
0x42: {  	_ =	shalt  }
0x43: {  	_ =	shalt  }
0x44: {  	_ =	shalt  }
0x45: {  	_ =	shalt  }
0x46: {  	_ =	shalt  }
0x47: {  	_ =	shalt  }
0x48: {  	_ =	shalt  }
0x49: {  	_ =	shalt  }
0x4a: {  	_ =	shalt  }
0x4b: {  	_ =	shalt  }
0x4c: {  	_ =	shalt  }
0x4d: {  	_ =	shalt  }
0x4e: {  	_ =	shalt  }
0x4f: {  	_ =	shalt  }
0x50: {  	_ =	shalt  }
0x51: {  	_ =	shalt  }
0x52: {  	_ =	shalt  }
0x53: {  	_ =	shalt  }
0x54: {  	_ =	shalt  }
0x55: {  	_ =	shalt  }
0x56: {  	_ =	shalt  }
0x57: {  	_ =	shalt  }
0x58: {  	_ =	shalt  }
0x59: {  	_ =	shalt  }
0x5a: {  	_ =	shalt  }
0x5b: {  	_ =	shalt  }
0x5c: {  	_ =	shalt  }
0x5d: {  	_ =	shalt  }
0x5e: {  	_ =	shalt  }
0x5f: {  	_ =	shalt  }
0x60: {  	_ =	shalt  }
0x61: {  	_ =	shalt  }
0x62: {  	_ =	shalt  }
0x63: {  	_ =	shalt  }
0x64: {  	_ =	shalt  }
0x65: {  	_ =	shalt  }
0x66: {  	_ =	shalt  }
0x67: {  	_ =	shalt  }
0x68: {  	_ =	shalt  }
0x69: {  	_ =	shalt  }
0x6a: {  	_ =	shalt  }
0x6b: {  	_ =	shalt  }
0x6c: {  	_ =	shalt  }
0x6d: {  	_ =	shalt  }
0x6e: {  	_ =	shalt  }
0x6f: {  	_ =	shalt  }
0x70: {  	_ =	shalt  }
0x71: {  	_ =	shalt  }
0x72: {  	_ =	shalt  }
0x73: {  	_ =	shalt  }
0x74: {  	_ =	shalt  }
0x75: {  	_ =	shalt  }
0x76: {  	_ =	shalt  }
0x77: {  	_ =	shalt  }
0x78: {  	_ =	shalt  }
0x79: {  	_ =	shalt  }
0x7a: {  	_ =	shalt  }
0x7b: {  	_ =	shalt  }
0x7c: {  	_ =	shalt  }
0x7d: {  	_ =	shalt  }
0x7e: {  	_ =	shalt  }
0x7f: {  	_ =	shalt  }
0x80: {  	_ =	shalt  }
0x81: {  	_ =	shalt  }
0x82: {  	_ =	shalt  }
0x83: {  	_ =	shalt  }
0x84: {  	_ =	shalt  }
0x85: {  	_ =	shalt  }
0x86: {  	_ =	shalt  }
0x87: {  	_ =	shalt  }
.Lfunc_end0:
.L_simem_size_0:
called_computation_lowered:
.L_overlay_start_0:
0x88: {  	s2 =	sld [smem:$0x3FD9]  }
0x89: {  	s3 =	sld [smem:$0x3FFE];
	_ =	sdelay $0x1  }
0x8a: {  	s1 =	srdreg.scid  }
0x8b: {  	s0 =	sand.u32 $0x1, s1  }
0x8c: {  	s17 =	sshll.u32 s0, $0xA;
	s2 =	sadd.s32 s3, s2  }
0x8d: {  	s2 =	sadd.s32 s2, s17  }
0x8e: {  	[smem:$0x3FC3] =	sst s2  }
0x8f: {  	_ = 	snop  }
0x90: {  	s2 =	sld [smem:$0x3FC9]  }
0x91: {  	s18 =	sld [smem:$0x3FC8]  }
0x92: {  	s4 =	sld [smem:$0x3FD0];
	(tm) =	ssettm $0x1  }
0x93: {  	s5 =	sld [smem:$0x3FFB];
	_ =	sdelay $0x3  }
0x94: {  	_ =	strace s5  }
0x95: {  	s5 =	sld [smem:$0x3FFC];
	_ =	sdelay $0x3  }
0x96: {  	_ =	strace s5  }
0x97: {  	s5 =	sld [smem:$0x3FFD];
	_ =	sdelay $0x3  }
0x98: {  	_ =	strace s5  }
0x99: {  	_ =	strace $0x8FFFFFFF  }
0x9a: {  	s19 =	sld [smem:$0x3FDB];
	_ =	sdelay $0x1  }
0x9b: {  	s6 =	simm.s32 $_scs_section_size  }
0x9c: {  	s7 =	simm.s32 $_size__tile_overlayer_lowered;
	s8 =	simm.s32 $_tile_overlayer_lowered  }
0x9d: {  	s22 =	simm.s32 $0x1BFF;
	s21 =	sshll.u32 s8, $0x1;
	s5 =	sadd.s32 s6, s19  }
0x9e: {  	s9 =	simm.s32 $0x0;
	s20 =	sshll.u32 s7, $0x1;
	s7 =	sadd.s32 s21, s5  }
0x9f: {  	[timem:s9], [sflag:s22] =	dma.local [hbm:s7], s20  }
0xa0: {  	_ =	swait.ge [sflag:s22], s20  }
0xa1: {  	s6 =	ssub.s32 $0x0, s20;
	[sflag:s22] =	ssyncset.done $0x0  }
0xa2: {  	[sflag:s22] =	ssyncadd.s32 s6;
	_ =	sdelay $0x1  }
0xa3: {  	s23 =	simm.s32 $0x1B8B  }
0xa4: {  	_ =	swait.ge [sflag:s23], $0x1  }
0xa5: {  	[sflag:s23] =	ssyncset.done $0x0  }
0xa6: {  	s25 =	simm.s32 $0x1B8E;
	s24 =	sld [smem:$0x3FFE];
	[sflag:s23] =	ssyncadd.s32 $0xFFFFFFFF  }
0xa7: {  	s26 =	simm.s32 $execute0_lowered;
	[smem:$0x3FD2] =	sst s25  }
0xa8: {  	s7 =	sshll.u32 s26, $0x1;
	_ =	strace $0x80000046;
	[dreg:$0x1] =	wrdreg $0xFFFFFFFF  }
0xa9: {  	s28 =	simm.s32 $_size_execute0_lowered;
	s5 =	sadd.s32 s5, s7;
	[dreg:$0x0] =	wrdreg $0x0  }
0xaa: {  	s7 =	sshll.u32 s28, $0x1;
	[dreg:$0x2] =	wrdreg s5  }
0xab: {  	[dreg:$0x3] =	wrdreg s7  }
0xac: {  	[dreg:$0x4] =	wrdreg $0xC0  }
0xad: {  	_ =	task [dreg:s9], $0x5FFFF  }
0xae: {  	[dreg:$0x1] =	wrdreg $0xFFFFFFFF  }
0xaf: {  	[dreg:$0x0] =	wrdreg $0x60  }
0xb0: {  	[dreg:$0x2] =	wrdreg s2  }
0xb1: {  	[dreg:$0x3] =	wrdreg s18  }
0xb2: {  	[dreg:$0x4] =	wrdreg s24  }
0xb3: {  	[dreg:$0x5] =	wrdreg s4  }
0xb4: {  	[dreg:$0x6] =	wrdreg $0x9  }
0xb5: {  	_ =	task.clear_ibuf [dreg:s9], $0x7FFFF;
	_ =	strace $0x90000046  }
0xb6: {  	s29 =	simm.s32 $0x9;
	_ =	strace $0x80000048  }
0xb7: {  	_ =	swait.ge [sflag:s29], $0x1  }
0xb8: {  	[sflag:s29] =	ssyncadd.s32 $0xFFFFFFFF  }
0xb9: {  	_ =	strace $0x90000048  }
0xba: {  	_ =	sfence  }
0xbb: {  	s30 =	sld [smem:$0x0];
	_ =	sdelay $0x2  }
0xbc: {  	s31 =	sshll.u32 s1, $0xD;
	s1 =	sshrl.u32 s1, $0x2  }
0xbd: {  	s3 =	sand.u32 $0x4000, s31;
	s1 =	sadd.s32 s1, s30  }
0xbe: {  	s0 =	sor.u32 s3, s0;
	s1 =	sshll.u32 s1, $0x11  }
0xbf: {  	s0 =	sor.u32 s1, s0  }
0xc0: {  	s0 =	sadd.s32 $0x8F2B, s0  }
0xc1: {  	[sflag:s0] =	ssyncadd.remote.s32 $0x1  }
0xc2: {  	_ =	sfence.sel $0xFFFF  }
0xc3: {  	[dreg:$0x0] =	wrdreg $0xFFFFFFFF;
	(pc) =	sbr.abs _section_cstart, $3  }
0xc4: {  	[dreg:$0x1] =	wrdreg $0xFFFFFFFF  }
0xc5: {  	_ =	task.clear_ibuf [dreg:s9], $0x2FFFF;
	_ =	strace $0x9FFFFFFF  }
0xc6: {  	(tm) =	ssettm $0x7FFFFFFF  }
0xc7: {  	_ =	shalt  }
tec
execute0_lowered:
.L_overlay_start_1:
0x0: {  	(tag) =	ssettag $0x1  }
0x1: {  	s5 =	rddreg [dreg:$0x0]  }
0x2: {  	s6 =	rddreg [dreg:$0x1]  }
0x3: {  	s4 =	rddreg [dreg:$0x2]  }
0x4: {  	s7 =	rddreg [dreg:$0x3]  }
0x5: {  	s0 =	rddreg [dreg:$0x4]  }
0x6: {  	s2 =	simm.s32 $0x0;
	s3 =	srdreg.scid;
	s1 =	stileid.u32  }
0x7: {  	s12 =	simm.s32 $0x4400;
	s13 =	simm.s32 $0x8400;
	s14 =	simm.s32 $0x1  }
0x8: {  	s15 =	simm.s32 $0x2;
	s16 =	simm.s32 $0x8430;
	s17 =	simm.s32 $0x0  }
0x9: {  	[smem:$0x7FF] =	sst s2;
	s3 =	sand.u32 $0x1, s3;
	s9 =	sshll.u32 s1, $0x7  }
0xa: {  	_ =	strace $0x80000047;
	s8 =	ssub.s32 $0x2, s3;
	s10 =	sshll.u32 s3, $0x6  }
0xb: {  	s3 =	sadd.s32 $0xF42A00, s4;
	s4 =	sadd.s32 $0x600, s4;
	s11 =	sshrl.u32 s8, $0x1  }
0xc: {  	s9 =	sor.u32 s10, s9;
	s10 =	simm.s32 $0x200;
	s8 =	ssub.s32 s8, s11  }
0xd: {  	v0 =	vimm.s32 $0x0;
	vm0 =	vcmask $0x300;
	s5 =	sadd.s32 s5, s9;
	s6 =	sadd.s32 s6, s9;
	s7 =	sadd.s32 s7, s9  }
0xe: {  	v0 =	vsel vm0, $0x3, v0;
	vm0 =	vcmask $0x3F3C;
	s9 =	simm.s32 $0x3;
	s11 =	simm.s32 $0x400;
	s8 =	smax.u32 s8, $0x1  }
.LBB2_1:
0xf: {  	[tilespmem:s2], [sflag:$0x3] =	stream.linear.gather [hbm4b:s5+s2], $0x200, $0x38;
	[tilespmem:$0x8630] =	vst v63  }
0x10: {  	_ =	swait.ge [sflag:s9], $0x200  }
0x11: {  	[sflag:s9] =	ssyncset.done $0x0  }
0x12: {  	[sflag:s9] =	ssyncadd.s32 $0xFFFFFE00  }
0x13: {  	[tilespmem:s10], [sflag:$0x3] =	stream.linear.gather [hbm4b:s6+s2], $0x200, $0x38;
	[tilespmem:$0x8630] =	vst v63  }
0x14: {  	_ =	swait.ge [sflag:s9], $0x200  }
0x15: {  	[sflag:s9] =	ssyncset.done $0x0  }
0x16: {  	[sflag:s9] =	ssyncadd.s32 $0xFFFFFE00  }
0x17: {  	[tilespmem:s11], [sflag:$0x1] =	stream.indirect.gather [hbm4b:s3+s10], $0x20, s2, s10, $0xb8;
	[tilespmem:$0x8630] =	vst v63  }
0x18: {  	_ = 	snop  }
0x19: {  	[tilespmem:s12], [sflag:$0x2] =	stream.indirect.gather [hbm4b:s3+s10], $0x20, s10, s10, $0xb8;
	[tilespmem:$0x8630] =	vst v63  }
0x1a: {  	_ = 	snop  }
0x1b: {  	[tilespmem:s13], [sflag:$0x3] =	stream.linear.gather [hbm4b:s4+s2], $0x30, $0x38;
	[tilespmem:$0x8630] =	vst v63  }
0x1c: {  	_ =	swait.ge [sflag:s9], $0x30  }
0x1d: {  	[sflag:s9] =	ssyncset.done $0x0  }
0x1e: {  	[sflag:s9] =	ssyncadd.s32 $0xFFFFFFD0  }
0x1f: {  	v2 =	vld [tilespmem:$0x8400]  }
0x20: {  	v3 =	vld [tilespmem:$0x8410]  }
0x21: {  	v1 =	vld [tilespmem:$0x8420];
	_ =	swait.ge [sflag:s14], $0x4000  }
0x22: {  	[sflag:s14] =	ssyncset.done $0x0  }
0x23: {  	[sflag:s14] =	ssyncadd.s32 $0xFFFFC000  }
0x24: {  	_ =	swait.ge [sflag:s15], $0x4000  }
0x25: {  	[sflag:s15] =	ssyncset.done $0x0  }
0x26: {  	s18 =	simm.s32 $0x480;
	[sflag:s15] =	ssyncadd.s32 $0xFFFFC000  }
0x27: {  	s19 =	simm.s32 $0x4480;
	v4 =	vld [tilespmem:s18+$0xFFFFFF80]  }
0x28: {  	v5 =	vld [tilespmem:s19+$0xFFFFFF90]  }
0x29: {  	v6 =	vld [tilespmem:s19+$0xFFFFFF80]  }
0x2a: {  	v7 =	vld [tilespmem:s18+$0xFFFFFF90];
	_ =	sdelay $0x4  }
0x2b: {  	v4 =	vmul.f32 v6, v4;
	v5 =	vmul.f32 v5, v7;
	_ =	sdelay $0x1  }
0x2c: {  	v4 =	vmul.f32 v4, v2;
	v5 =	vmul.f32 v5, v3;
	_ =	sdelay $0x1  }
0x2d: {  	v4 =	vadd.f32 v5, v4;
	_ =	sdelay $0x1  }
0x2e: {  	(xrf2) =	vadd.scan.msk.f32 $0xffff, v4;
	_ =	sdelay $0x3  }
0x2f: {  	v4 =	vmov s2  }
0x30: {  	v4 =	vshrl.u32 v4, $0x3  }
0x31: {  	v4 =	vshll.u32 v4, v0  }
0x32: {  	v4 =	vbroadcast v4, $0x0;
	_ =	sdelay $0x2  }
0x33: {  	v5, _, _ =	vpop (xrf2)  }
0x34: {  	v5 =	vadd.f32 v5, v1;
	_ =	sdelay $0x1  }
0x35: {  	[tilespmem:v4+s16+$0x0] =	vst.idx.msk vm0, v5  }
0x36: {  	v4 =	vld [tilespmem:s19+$0xFFFFFFB0]  }
0x37: {  	v5 =	vld [tilespmem:s18+$0xFFFFFFA0]  }
0x38: {  	v6 =	vld [tilespmem:s19+$0xFFFFFFA0]  }
0x39: {  	v7 =	vld [tilespmem:s18+$0xFFFFFFB0];
	_ =	sdelay $0x4  }
0x3a: {  	v5 =	vmul.f32 v6, v5;
	v4 =	vmul.f32 v4, v7;
	_ =	sdelay $0x1  }
0x3b: {  	v5 =	vmul.f32 v5, v2;
	v4 =	vmul.f32 v4, v3;
	_ =	sdelay $0x1  }
0x3c: {  	v4 =	vadd.f32 v4, v5;
	_ =	sdelay $0x1  }
0x3d: {  	(xrf2) =	vadd.scan.msk.f32 $0xffff, v4;
	_ =	sdelay $0x1  }
0x3e: {  	s20 =	simm.s32 $0x1  }
0x3f: {  	v4 =	vmov s20  }
0x40: {  	v4 =	vshrl.u32 v4, $0x3  }
0x41: {  	v4 =	vshll.u32 v4, v0  }
0x42: {  	v4 =	vadd.s32 $0x1, v4  }
0x43: {  	v4 =	vbroadcast v4, $0x0;
	_ =	sdelay $0x2  }
0x44: {  	v5, _, _ =	vpop (xrf2)  }
0x45: {  	v5 =	vadd.f32 v5, v1;
	_ =	sdelay $0x1  }
0x46: {  	[tilespmem:v4+s16+$0x0] =	vst.idx.msk vm0, v5  }
0x47: {  	v4 =	vld [tilespmem:s19+$0xFFFFFFD0]  }
0x48: {  	v5 =	vld [tilespmem:s18+$0xFFFFFFD0]  }
0x49: {  	v6 =	vld [tilespmem:s18+$0xFFFFFFC0]  }
0x4a: {  	v7 =	vld [tilespmem:s19+$0xFFFFFFC0];
	_ =	sdelay $0x4  }
0x4b: {  	v4 =	vmul.f32 v4, v5;
	v5 =	vmul.f32 v7, v6;
	_ =	sdelay $0x1  }
0x4c: {  	v4 =	vmul.f32 v4, v3;
	v5 =	vmul.f32 v5, v2;
	_ =	sdelay $0x1  }
0x4d: {  	v4 =	vadd.f32 v4, v5;
	_ =	sdelay $0x1  }
0x4e: {  	(xrf2) =	vadd.scan.msk.f32 $0xffff, v4;
	_ =	sdelay $0x1  }
0x4f: {  	s26 =	simm.s32 $0x2  }
0x50: {  	v4 =	vmov s26  }
0x51: {  	v4 =	vshrl.u32 v4, $0x3  }
0x52: {  	v4 =	vshll.u32 v4, v0  }
0x53: {  	v4 =	vadd.s32 $0x2, v4  }
0x54: {  	v4 =	vbroadcast v4, $0x0;
	_ =	sdelay $0x2  }
0x55: {  	v5, _, _ =	vpop (xrf2)  }
0x56: {  	v5 =	vadd.f32 v5, v1;
	_ =	sdelay $0x1  }
0x57: {  	[tilespmem:v4+s16+$0x0] =	vst.idx.msk vm0, v5  }
0x58: {  	v4 =	vld [tilespmem:s19+$0xFFFFFFE0]  }
0x59: {  	v5 =	vld [tilespmem:s18+$0xFFFFFFF0]  }
0x5a: {  	v6 =	vld [tilespmem:s18+$0xFFFFFFE0]  }
0x5b: {  	v7 =	vld [tilespmem:s19+$0xFFFFFFF0];
	_ =	sdelay $0x4  }
0x5c: {  	v4 =	vmul.f32 v4, v6;
	v5 =	vmul.f32 v7, v5;
	_ =	sdelay $0x1  }
0x5d: {  	v4 =	vmul.f32 v4, v2;
	v5 =	vmul.f32 v5, v3;
	_ =	sdelay $0x1  }
0x5e: {  	v4 =	vadd.f32 v5, v4;
	_ =	sdelay $0x1  }
0x5f: {  	(xrf2) =	vadd.scan.msk.f32 $0xffff, v4;
	_ =	sdelay $0x1  }
0x60: {  	s28 =	simm.s32 $0x3  }
0x61: {  	v4 =	vmov s28  }
0x62: {  	v4 =	vshrl.u32 v4, $0x3  }
0x63: {  	v4 =	vshll.u32 v4, v0  }
0x64: {  	v4 =	vadd.s32 $0x3, v4  }
0x65: {  	v4 =	vbroadcast v4, $0x0;
	_ =	sdelay $0x2  }
0x66: {  	v5, _, _ =	vpop (xrf2)  }
0x67: {  	v5 =	vadd.f32 v5, v1;
	_ =	sdelay $0x1  }
0x68: {  	[tilespmem:v4+s16+$0x0] =	vst.idx.msk vm0, v5  }
0x69: {  	v4 =	vld [tilespmem:s19+$0x10]  }
0x6a: {  	v5 =	vld [tilespmem:s18+$0x10]  }
0x6b: {  	v6 =	vld [tilespmem:s18+$0x0]  }
0x6c: {  	v7 =	vld [tilespmem:s19+$0x0];
	_ =	sdelay $0x4  }
0x6d: {  	v4 =	vmul.f32 v4, v5;
	v5 =	vmul.f32 v7, v6;
	_ =	sdelay $0x1  }
0x6e: {  	v4 =	vmul.f32 v4, v3;
	v5 =	vmul.f32 v5, v2;
	_ =	sdelay $0x1  }
0x6f: {  	v4 =	vadd.f32 v4, v5;
	_ =	sdelay $0x1  }
0x70: {  	(xrf2) =	vadd.scan.msk.f32 $0xffff, v4;
	_ =	sdelay $0x1  }
0x71: {  	s29 =	simm.s32 $0x4  }
0x72: {  	v4 =	vmov s29  }
0x73: {  	v4 =	vshrl.u32 v4, $0x3  }
0x74: {  	v4 =	vshll.u32 v4, v0  }
0x75: {  	v4 =	vadd.s32 $0x4, v4  }
0x76: {  	v4 =	vbroadcast v4, $0x0;
	_ =	sdelay $0x2  }
0x77: {  	v5, _, _ =	vpop (xrf2)  }
0x78: {  	v5 =	vadd.f32 v5, v1;
	_ =	sdelay $0x1  }
0x79: {  	[tilespmem:v4+s16+$0x0] =	vst.idx.msk vm0, v5  }
0x7a: {  	v4 =	vld [tilespmem:s19+$0x30]  }
0x7b: {  	v5 =	vld [tilespmem:s18+$0x20]  }
0x7c: {  	v6 =	vld [tilespmem:s18+$0x30]  }
0x7d: {  	v7 =	vld [tilespmem:s19+$0x20];
	_ =	sdelay $0x4  }
0x7e: {  	v4 =	vmul.f32 v4, v6;
	v5 =	vmul.f32 v7, v5;
	_ =	sdelay $0x1  }
0x7f: {  	v5 =	vmul.f32 v5, v2;
	v4 =	vmul.f32 v4, v3;
	_ =	sdelay $0x1  }
0x80: {  	v4 =	vadd.f32 v4, v5;
	_ =	sdelay $0x1  }
0x81: {  	(xrf2) =	vadd.scan.msk.f32 $0xffff, v4;
	_ =	sdelay $0x1  }
0x82: {  	s30 =	simm.s32 $0x5  }
0x83: {  	v4 =	vmov s30  }
0x84: {  	v4 =	vshrl.u32 v4, $0x3  }
0x85: {  	v4 =	vshll.u32 v4, v0  }
0x86: {  	v4 =	vadd.s32 $0x5, v4  }
0x87: {  	v4 =	vbroadcast v4, $0x0;
	_ =	sdelay $0x2  }
0x88: {  	v5, _, _ =	vpop (xrf2)  }
0x89: {  	v5 =	vadd.f32 v5, v1;
	_ =	sdelay $0x1  }
0x8a: {  	[tilespmem:v4+s16+$0x0] =	vst.idx.msk vm0, v5  }
0x8b: {  	v4 =	vld [tilespmem:s19+$0x50]  }
0x8c: {  	v5 =	vld [tilespmem:s18+$0x50]  }
0x8d: {  	v6 =	vld [tilespmem:s18+$0x40]  }
0x8e: {  	v7 =	vld [tilespmem:s19+$0x40];
	_ =	sdelay $0x4  }
0x8f: {  	v4 =	vmul.f32 v4, v5;
	v5 =	vmul.f32 v7, v6;
	_ =	sdelay $0x1  }
0x90: {  	v4 =	vmul.f32 v4, v3;
	v5 =	vmul.f32 v5, v2;
	_ =	sdelay $0x1  }
0x91: {  	v4 =	vadd.f32 v4, v5;
	_ =	sdelay $0x1  }
0x92: {  	(xrf2) =	vadd.scan.msk.f32 $0xffff, v4;
	_ =	sdelay $0x1  }
0x93: {  	s31 =	simm.s32 $0x6  }
0x94: {  	v4 =	vmov s31  }
0x95: {  	v4 =	vshrl.u32 v4, $0x3  }
0x96: {  	v4 =	vshll.u32 v4, v0  }
0x97: {  	v4 =	vadd.s32 $0x6, v4  }
0x98: {  	v4 =	vbroadcast v4, $0x0;
	_ =	sdelay $0x2  }
0x99: {  	v5, _, _ =	vpop (xrf2)  }
0x9a: {  	v5 =	vadd.f32 v5, v1;
	_ =	sdelay $0x1  }
0x9b: {  	[tilespmem:v4+s16+$0x0] =	vst.idx.msk vm0, v5  }
0x9c: {  	v4 =	vld [tilespmem:s18+$0x60]  }
0x9d: {  	v5 =	vld [tilespmem:s19+$0x70]  }
0x9e: {  	v7 =	vld [tilespmem:s18+$0x70]  }
0x9f: {  	s21 =	simm.s32 $0x8;
	s20 =	simm.s32 $0x0;
	v6 =	vld [tilespmem:s19+$0x60]  }
.LBB2_2:
0xa0: {  	_ =	sdelay $0x1  }
0xa1: {  	p0 =	slt.u32 s21, $0x1F8;
	s19 =	sadd.s32 $0x100, s19;
	s18 =	sadd.s32 $0x100, s18  }
0xa2: {  	s22 =	smov.u32 s21;
	s21 =	sadd.s32 $0x8, s21;
	v5 =	vmul.f32 v5, v7  }
0xa3: {  	v4 =	vmul.f32 v6, v4  }
0xa4: {  	v5 =	vmul.f32 v5, v3  }
0xa5: {  	v4 =	vmul.f32 v4, v2;
	_ =	sdelay $0x1  }
0xa6: {  	v4 =	vadd.f32 v5, v4;
	_ =	sdelay $0x1  }
0xa7: {  	(xrf2) =	vadd.scan.msk.f32 $0xffff, v4  }
0xa8: {  	s23 =	sadd.s32 $0x7, s20;
	s20 =	smov.u32 s22  }
0xa9: {  	v4 =	vmov s23  }
0xaa: {  	v4 =	vshrl.u32 v4, $0x3  }
0xab: {  	v4 =	vshll.u32 v4, v0  }
0xac: {  	v4 =	vadd.s32 $0x7, v4  }
0xad: {  	v4 =	vbroadcast v4, $0x0;
	_ =	sdelay $0x3  }
0xae: {  	v5, _, _ =	vpop (xrf2)  }
0xaf: {  	v5 =	vadd.f32 v5, v1;
	_ =	sdelay $0x1  }
0xb0: {  	[tilespmem:v4+s16+$0x0] =	vst.idx.msk vm0, v5  }
0xb1: {  	v4 =	vld [tilespmem:s18+$0xFFFFFF80]  }
0xb2: {  	v5 =	vld [tilespmem:s19+$0xFFFFFF90]  }
0xb3: {  	v6 =	vld [tilespmem:s19+$0xFFFFFF80]  }
0xb4: {  	v7 =	vld [tilespmem:s18+$0xFFFFFF90];
	_ =	sdelay $0x3  }
0xb5: {  	v4 =	vmul.f32 v6, v4  }
0xb6: {  	v5 =	vmul.f32 v5, v7;
	_ =	sdelay $0x1  }
0xb7: {  	v4 =	vmul.f32 v4, v2;
	v5 =	vmul.f32 v5, v3;
	_ =	sdelay $0x1  }
0xb8: {  	v4 =	vadd.f32 v5, v4;
	_ =	sdelay $0x1  }
0xb9: {  	(xrf2) =	vadd.scan.msk.f32 $0xffff, v4;
	_ =	sdelay $0x3  }
0xba: {  	v4 =	vmov s20  }
0xbb: {  	v4 =	vshrl.u32 v4, $0x3  }
0xbc: {  	v4 =	vshll.u32 v4, v0  }
0xbd: {  	v4 =	vbroadcast v4, $0x0;
	_ =	sdelay $0x2  }
0xbe: {  	v5, _, _ =	vpop (xrf2)  }
0xbf: {  	v5 =	vadd.f32 v5, v1;
	_ =	sdelay $0x1  }
0xc0: {  	[tilespmem:v4+s16+$0x0] =	vst.idx.msk vm0, v5  }
0xc1: {  	v4 =	vld [tilespmem:s19+$0xFFFFFFB0]  }
0xc2: {  	v5 =	vld [tilespmem:s18+$0xFFFFFFA0]  }
0xc3: {  	v6 =	vld [tilespmem:s19+$0xFFFFFFA0]  }
0xc4: {  	v7 =	vld [tilespmem:s18+$0xFFFFFFB0];
	_ =	sdelay $0x3  }
0xc5: {  	v5 =	vmul.f32 v6, v5  }
0xc6: {  	v4 =	vmul.f32 v4, v7  }
0xc7: {  	v5 =	vmul.f32 v5, v2  }
0xc8: {  	v4 =	vmul.f32 v4, v3;
	_ =	sdelay $0x1  }
0xc9: {  	v4 =	vadd.f32 v4, v5;
	_ =	sdelay $0x1  }
0xca: {  	(xrf2) =	vadd.scan.msk.f32 $0xffff, v4;
	_ =	sdelay $0x1  }
0xcb: {  	s22 =	sadd.s32 $0x1, s20  }
0xcc: {  	v4 =	vmov s22  }
0xcd: {  	v4 =	vshrl.u32 v4, $0x3  }
0xce: {  	v4 =	vshll.u32 v4, v0  }
0xcf: {  	v4 =	vadd.s32 $0x1, v4  }
0xd0: {  	v4 =	vbroadcast v4, $0x0;
	_ =	sdelay $0x2  }
0xd1: {  	v5, _, _ =	vpop (xrf2)  }
0xd2: {  	v5 =	vadd.f32 v5, v1;
	_ =	sdelay $0x1  }
0xd3: {  	[tilespmem:v4+s16+$0x0] =	vst.idx.msk vm0, v5  }
0xd4: {  	v4 =	vld [tilespmem:s19+$0xFFFFFFD0]  }
0xd5: {  	v5 =	vld [tilespmem:s18+$0xFFFFFFD0]  }
0xd6: {  	v6 =	vld [tilespmem:s18+$0xFFFFFFC0]  }
0xd7: {  	v7 =	vld [tilespmem:s19+$0xFFFFFFC0];
	_ =	sdelay $0x2  }
0xd8: {  	v4 =	vmul.f32 v4, v5;
	_ =	sdelay $0x1  }
0xd9: {  	v5 =	vmul.f32 v7, v6;
	v4 =	vmul.f32 v4, v3;
	_ =	sdelay $0x1  }
0xda: {  	v5 =	vmul.f32 v5, v2;
	_ =	sdelay $0x1  }
0xdb: {  	v4 =	vadd.f32 v4, v5;
	_ =	sdelay $0x1  }
0xdc: {  	(xrf2) =	vadd.scan.msk.f32 $0xffff, v4;
	_ =	sdelay $0x1  }
0xdd: {  	s22 =	sadd.s32 $0x2, s20  }
0xde: {  	v4 =	vmov s22  }
0xdf: {  	v4 =	vshrl.u32 v4, $0x3  }
0xe0: {  	v4 =	vshll.u32 v4, v0  }
0xe1: {  	v4 =	vadd.s32 $0x2, v4  }
0xe2: {  	v4 =	vbroadcast v4, $0x0;
	_ =	sdelay $0x2  }
0xe3: {  	v5, _, _ =	vpop (xrf2)  }
0xe4: {  	v5 =	vadd.f32 v5, v1;
	_ =	sdelay $0x1  }
0xe5: {  	[tilespmem:v4+s16+$0x0] =	vst.idx.msk vm0, v5  }
0xe6: {  	v4 =	vld [tilespmem:s19+$0xFFFFFFE0]  }
0xe7: {  	v5 =	vld [tilespmem:s18+$0xFFFFFFF0]  }
0xe8: {  	v6 =	vld [tilespmem:s18+$0xFFFFFFE0]  }
0xe9: {  	v7 =	vld [tilespmem:s19+$0xFFFFFFF0];
	_ =	sdelay $0x3  }
0xea: {  	v4 =	vmul.f32 v4, v6  }
0xeb: {  	v5 =	vmul.f32 v7, v5  }
0xec: {  	v4 =	vmul.f32 v4, v2  }
0xed: {  	v5 =	vmul.f32 v5, v3;
	_ =	sdelay $0x1  }
0xee: {  	v4 =	vadd.f32 v5, v4;
	_ =	sdelay $0x1  }
0xef: {  	(xrf2) =	vadd.scan.msk.f32 $0xffff, v4;
	_ =	sdelay $0x1  }
0xf0: {  	s22 =	sadd.s32 $0x3, s20  }
0xf1: {  	v4 =	vmov s22  }
0xf2: {  	v4 =	vshrl.u32 v4, $0x3  }
0xf3: {  	v4 =	vshll.u32 v4, v0  }
0xf4: {  	v4 =	vadd.s32 $0x3, v4  }
0xf5: {  	v4 =	vbroadcast v4, $0x0;
	_ =	sdelay $0x2  }
0xf6: {  	v5, _, _ =	vpop (xrf2)  }
0xf7: {  	v5 =	vadd.f32 v5, v1;
	_ =	sdelay $0x1  }
0xf8: {  	[tilespmem:v4+s16+$0x0] =	vst.idx.msk vm0, v5  }
0xf9: {  	v4 =	vld [tilespmem:s19+$0x10]  }
0xfa: {  	v5 =	vld [tilespmem:s18+$0x10]  }
0xfb: {  	v6 =	vld [tilespmem:s18+$0x0]  }
0xfc: {  	v7 =	vld [tilespmem:s19+$0x0];
	_ =	sdelay $0x2  }
0xfd: {  	v4 =	vmul.f32 v4, v5;
	_ =	sdelay $0x1  }
0xfe: {  	v5 =	vmul.f32 v7, v6  }
0xff: {  	v4 =	vmul.f32 v4, v3  }
0x100: {  	v5 =	vmul.f32 v5, v2;
	_ =	sdelay $0x1  }
0x101: {  	v4 =	vadd.f32 v4, v5;
	_ =	sdelay $0x1  }
0x102: {  	(xrf2) =	vadd.scan.msk.f32 $0xffff, v4;
	_ =	sdelay $0x1  }
0x103: {  	s22 =	sadd.s32 $0x4, s20  }
0x104: {  	v4 =	vmov s22  }
0x105: {  	v4 =	vshrl.u32 v4, $0x3  }
0x106: {  	v4 =	vshll.u32 v4, v0  }
0x107: {  	v4 =	vadd.s32 $0x4, v4  }
0x108: {  	v4 =	vbroadcast v4, $0x0;
	_ =	sdelay $0x2  }
0x109: {  	v5, _, _ =	vpop (xrf2)  }
0x10a: {  	v5 =	vadd.f32 v5, v1;
	_ =	sdelay $0x1  }
0x10b: {  	[tilespmem:v4+s16+$0x0] =	vst.idx.msk vm0, v5  }
0x10c: {  	v4 =	vld [tilespmem:s19+$0x30]  }
0x10d: {  	v5 =	vld [tilespmem:s18+$0x20]  }
0x10e: {  	v6 =	vld [tilespmem:s18+$0x30]  }
0x10f: {  	v7 =	vld [tilespmem:s19+$0x20];
	_ =	sdelay $0x3  }
0x110: {  	v4 =	vmul.f32 v4, v6  }
0x111: {  	v5 =	vmul.f32 v7, v5;
	_ =	sdelay $0x1  }
0x112: {  	v4 =	vmul.f32 v4, v3;
	v5 =	vmul.f32 v5, v2;
	_ =	sdelay $0x1  }
0x113: {  	v4 =	vadd.f32 v4, v5;
	_ =	sdelay $0x1  }
0x114: {  	(xrf2) =	vadd.scan.msk.f32 $0xffff, v4;
	_ =	sdelay $0x1  }
0x115: {  	s22 =	sadd.s32 $0x5, s20  }
0x116: {  	v4 =	vmov s22  }
0x117: {  	v4 =	vshrl.u32 v4, $0x3  }
0x118: {  	v4 =	vshll.u32 v4, v0  }
0x119: {  	v4 =	vadd.s32 $0x5, v4  }
0x11a: {  	v4 =	vbroadcast v4, $0x0;
	_ =	sdelay $0x2  }
0x11b: {  	v5, _, _ =	vpop (xrf2)  }
0x11c: {  	v5 =	vadd.f32 v5, v1;
	_ =	sdelay $0x1  }
0x11d: {  	[tilespmem:v4+s16+$0x0] =	vst.idx.msk vm0, v5  }
0x11e: {  	v4 =	vld [tilespmem:s19+$0x50]  }
0x11f: {  	v5 =	vld [tilespmem:s18+$0x50]  }
0x120: {  	v6 =	vld [tilespmem:s18+$0x40]  }
0x121: {  	v7 =	vld [tilespmem:s19+$0x40];
	_ =	sdelay $0x2  }
0x122: {  	v4 =	vmul.f32 v4, v5;
	_ =	sdelay $0x1  }
0x123: {  	v5 =	vmul.f32 v7, v6;
	v4 =	vmul.f32 v4, v3;
	_ =	sdelay $0x1  }
0x124: {  	v5 =	vmul.f32 v5, v2;
	_ =	sdelay $0x1  }
0x125: {  	v4 =	vadd.f32 v4, v5;
	_ =	sdelay $0x1  }
0x126: {  	(xrf2) =	vadd.scan.msk.f32 $0xffff, v4;
	_ =	sdelay $0x1  }
0x127: {  	s22 =	sadd.s32 $0x6, s20  }
0x128: {  	v4 =	vmov s22  }
0x129: {  	v4 =	vshrl.u32 v4, $0x3  }
0x12a: {  	v4 =	vshll.u32 v4, v0  }
0x12b: {  	v4 =	vadd.s32 $0x6, v4  }
0x12c: {  	v4 =	vbroadcast v4, $0x0;
	_ =	sdelay $0x2  }
0x12d: {  	v5, _, _ =	vpop (xrf2)  }
0x12e: {  	v5 =	vadd.f32 v5, v1;
	_ =	sdelay $0x1  }
.Ltmp0:
0x12f: {  	[tilespmem:v4+s16+$0x0] =	vst.idx.msk vm0, v5;
	(pc) =	sbr.rel @p0 .LBB2_2-.Ltmp0, $4  }
0x130: {  	v4 =	vld [tilespmem:s18+$0x60]  }
0x131: {  	v5 =	vld [tilespmem:s19+$0x70]  }
0x132: {  	v7 =	vld [tilespmem:s18+$0x70]  }
0x133: {  	v6 =	vld [tilespmem:s19+$0x60]  }
0x134: {  	_ =	sdelay $0x3  }
0x135: {  	v5 =	vmul.f32 v5, v7;
	v4 =	vmul.f32 v6, v4;
	_ =	sdelay $0x1  }
0x136: {  	v3 =	vmul.f32 v5, v3;
	v2 =	vmul.f32 v4, v2;
	_ =	sdelay $0x1  }
0x137: {  	v2 =	vadd.f32 v3, v2;
	_ =	sdelay $0x1  }
0x138: {  	(xrf2) =	vadd.scan.msk.f32 $0xffff, v2;
	_ =	sdelay $0x1  }
0x139: {  	s18 =	sadd.s32 $0x7, s20  }
0x13a: {  	v2 =	vmov s18  }
0x13b: {  	v2 =	vshrl.u32 v2, $0x3  }
0x13c: {  	v2 =	vshll.u32 v2, v0  }
0x13d: {  	v2 =	vadd.s32 $0x7, v2  }
0x13e: {  	v2 =	vbroadcast v2, $0x0;
	_ =	sdelay $0x2  }
0x13f: {  	v3, _, _ =	vpop (xrf2)  }
0x140: {  	s17 =	sadd.s32 $0x1, s17;
	v1 =	vadd.f32 v3, v1  }
0x141: {  	p0 =	sne.s32 s17, s8  }
.Ltmp1:
0x142: {  	[tilespmem:v2+s16+$0x0] =	vst.idx.msk vm0, v1;
	(pc) =	sbr.rel @p0 .LBB2_1-.Ltmp1, $4  }
0x143: {  	[hbm4b:s7+s2] =	stream.linear.scatter [tilespmem:s16], [sflag:$0x3], $0x200, $0x38;
	[tilespmem:$0x8630] =	vst v63  }
0x144: {  	_ =	swait.ge [sflag:s9], $0x200  }
0x145: {  	[sflag:s9] =	ssyncset.done $0x0  }
0x146: {  	[sflag:s9] =	ssyncadd.s32 $0xFFFFFE00  }
0x147: {  	_ =	sfence.sel $0x180000  }
0x148: {  	[bflag:$0x0] =	sbarrier.arrive $0xFFFF  }
0x149: {  	p0 =	sne.s32 s1, $0x0;
	_ =	strace $0x90000047  }
0x14a: {  	s0 =	sadd.s32 @!p0 $0x100000, s0;
	[bflag:$0x2] =	sbarrier.arrive $0xFFFF  }
0x14b: {  	[sflag:s0] =	ssyncadd.tile.s32 @!p0 $0x1;
	_ =	shalt  }
.Lfunc_end2:
_tile_overlayer_lowered:
.L_overlay_start_2:
0x14c: {  	(tag) =	ssettag $0x2  }
0x14d: {  	s0 =	rddreg [dreg:$0x0];
	s2 =	stileid.u32  }
0x14e: {  	s1 =	rddreg [dreg:$0x1];
	p0 =	sne.s32 s2, $0x0  }
0x14f: {  	s3 =	rddreg [dreg:$0x2];
	[bflag:$0x3] =	sbarrier.arrive $0xFFFF;
	s2 =	simm.s32 @!p0 $0x1C03  }
0x150: {  	[timem:s3], [sflag:s2] =	dma.local @!p0 [hbm:s0], s1  }
0x151: {  	s0 =	simm.s32 @!p0 $0x3  }
0x152: {  	_ =	swait.ge @!p0 [sflag:s0], s1  }
0x153: {  	s1 =	ssub.s32 @!p0 $0x0, s1;
	[sflag:s0] =	ssyncset.done @!p0 $0x0  }
0x154: {  	[sflag:s0] =	ssyncadd.s32 @!p0 s1  }
0x155: {  	[bflag:$0x3] =	sbarrier.arrive $0xFFFF  }
0x156: {  	_ =	shalt  }

</sc_bundles>
